<compile_context>
chip_gen: v7x
topology: tpu7x:2x2x1
jax: 0.10.2.dev20260603
libtpu: 0.0.44.dev20260713+nightly
codegen_flags: <defaults>
</compile_context>

<pallas_src>
import functools

import jax
import jax.numpy as jnp
from jax import lax
from jax.experimental import pallas as pl
from jax.experimental.pallas import tpu as pltpu
from jax.experimental.pallas import tpu_sc as plsc

_ROWS = 16384
_PANELS = _ROWS // 128
_NC = 2
_NS = 16
_NW = _NC * _NS
_RPW = _ROWS // _NW
_PPW = _RPW // 128
_L = 16
_GROUPS = _RPW * 4 // _L

_mesh = plsc.VectorSubcoreMesh(core_axis_name="c", subcore_axis_name="s")


@functools.partial(
    pl.kernel,
    mesh=_mesh,
    out_type=jax.ShapeDtypeStruct((_PANELS, 4, 128), jnp.float32),
    scratch_types=[
        pltpu.VMEM((_RPW, 8), jnp.float32),
        pltpu.VMEM((_PPW, 4, 128), jnp.float32),
    ],
    compiler_params=pltpu.CompilerParams(
        use_tc_tiling_on_sc=False, needs_layout_passes=False
    ),
)
def _sc_gather_cols(x_hbm, out_hbm, in_v, out_v):
    cid = lax.axis_index("c")
    sid = lax.axis_index("s")
    wid = sid * _NC + cid
    base = wid * _RPW

    pltpu.sync_copy(x_hbm.at[pl.ds(base, _RPW), pl.ds(0, 8)], in_v)

    l = lax.iota(jnp.int32, _L)

    def body(g, carry):
        p = lax.shift_right_logical(g, 5)
        c = lax.bitwise_and(lax.shift_right_logical(g, 3), 3)
        rp0 = lax.bitwise_and(g, 7) * _L
        src_c = lax.select(c >= 2, 4, c)
        rows = p * 128 + rp0 + l
        cols = jnp.full((_L,), src_c, jnp.int32)
        v = plsc.load_gather(in_v, [rows, cols])
        out_v[p, c, pl.ds(rp0, _L)] = v
        return carry

    lax.fori_loop(0, _GROUPS, body, 0, unroll=8)

    pltpu.sync_copy(out_v, out_hbm.at[pl.ds(wid * _PPW, _PPW), :, :])


def kernel(x):
    t = _sc_gather_cols(x)
    return jnp.transpose(t, (0, 2, 1)).reshape(_ROWS, 4)

# --- scband reference (transcript-rebuilt; emitter-appended) ---
"""Pipeline reference for scband-my-model-61933428415912 (READ-ONLY COPY).

The authoritative reference and input builder live on the scoring server;
editing this copy changes nothing except your own understanding.
"""

import jax, jax.numpy as jnp
import numpy as np

def setup_inputs(seed: int = 0) -> dict:
    key = jax.random.key(seed)
    x = jax.random.normal(key, (16384, 128), dtype=jnp.float32)
    return {"x": x}

def reference(x):
    # indices = [0, 1, 3, 4]; indices[-2] = 4 -> [0, 1, 4, 4]
    indices = jnp.array([0, 1, 4, 4], dtype=jnp.int32)
    return jnp.take(x, indices, axis=1)

if __name__ == "__main__":
    import jax
    _d = setup_inputs()
    print(jax.jit(kernel)(*tuple(_d.values())))

</pallas_src>

<mosaic_0001>
#map = affine_map<(d0, d1) -> (0, 0)>
#map1 = affine_map<(d0, d1) -> (0, 0, 0)>
module attributes {stable_mosaic.version = 14 : i64} {
  func.func @_sc_gather_cols(%arg0: i32, %arg1: i32, %arg2: memref<16384x128xf32, #tpu.memory_space<hbm>>, %arg3: memref<128x4x128xf32, #tpu.memory_space<hbm>>, %arg4: memref<512x8xf32, #tpu.memory_space<vmem>>, %arg5: memref<4x4x128xf32, #tpu.memory_space<vmem>>) attributes {dimension_semantics = [#tpu.dimension_semantics<core_parallel>, #tpu.dimension_semantics<subcore_parallel>], iteration_bounds = array<i64: 2, 16>, scalar_prefetch = 0 : i64, scratch_operands = 2 : i64, tpu.core_type = #tpu.core_type<sc_vector_subcore>, window_params = [{transform_indices = #map}, {transform_indices = #map1}]} {
    %mul3A = arith.constant 2 : i32
    %mul3A_0 = arith.muli %arg1, %mul3A : i32
    %add3A = arith.addi %mul3A_0, %arg0 : i32
    %mul3A_1 = arith.constant 512 : i32
    %mul3A_2 = arith.muli %add3A, %mul3A_1 : i32
    "tpu.region"() ({
      %run_scoped3A = tpu.sem_alloc : memref<!tpu.dma_semaphore, #tpu.memory_space<semaphore_mem>>
      %dma_start3A = arith.constant 0 : i32
      %dma_start3A_10 = tpu.memref_slice %arg2[%mul3A_2, %dma_start3A] : memref<16384x128xf32, #tpu.memory_space<hbm>> -> memref<512x8xf32, #tpu.memory_space<hbm>>
      %dma_start3A_11 = arith.constant 0 : i32
      %dma_start3A_12 = tpu.memref_slice %arg2[%mul3A_2, %dma_start3A_11] : memref<16384x128xf32, #tpu.memory_space<hbm>> -> memref<512x8xf32, #tpu.memory_space<hbm>>
      tpu.enqueue_dma source(%dma_start3A_12 : memref<512x8xf32, #tpu.memory_space<hbm>>) target(%arg4 : memref<512x8xf32, #tpu.memory_space<vmem>>) target_semaphore(%run_scoped3A : memref<!tpu.dma_semaphore, #tpu.memory_space<semaphore_mem>>)
      %dma_wait3A = arith.constant 0 : i32
      %dma_wait3A_13 = tpu.memref_slice %arg2[%mul3A_2, %dma_wait3A] : memref<16384x128xf32, #tpu.memory_space<hbm>> -> memref<512x8xf32, #tpu.memory_space<hbm>>
      %dma_wait3A_14 = arith.constant 0 : i32
      %dma_wait3A_15 = tpu.memref_slice %arg2[%mul3A_2, %dma_wait3A_14] : memref<16384x128xf32, #tpu.memory_space<hbm>> -> memref<512x8xf32, #tpu.memory_space<hbm>>
      tpu.wait_dma2 semaphore(%run_scoped3A : memref<!tpu.dma_semaphore, #tpu.memory_space<semaphore_mem>>) src(%dma_wait3A_15 : memref<512x8xf32, #tpu.memory_space<hbm>>) dst(%arg4 : memref<512x8xf32, #tpu.memory_space<vmem>>)
      tpu.yield
    }) : () -> ()
    %iota3A = tpu.iota {dimensions = array<i32: 0>} : vector<16xi32>
    %scan3A = arith.constant 0 : i32
    %scan3A_3 = arith.constant 0 : i32
    %scan3A_4 = arith.constant 128 : i32
    %scan3A_5 = arith.addi %scan3A_3, %scan3A_4 : i32
    %scan3A_6 = arith.constant 8 : i32
    scf.for %scan3A_10 = %scan3A_3 to %scan3A_5 step %scan3A_6  : i32 {
      %shift_right_logical3A = arith.constant 5 : i32
      %shift_right_logical3A_11 = arith.shrui %scan3A_10, %shift_right_logical3A : i32
      %shift_right_logical3A_12 = arith.constant 3 : i32
      %shift_right_logical3A_13 = arith.shrui %scan3A_10, %shift_right_logical3A_12 : i32
      %and3A = arith.constant 3 : i32
      %and3A_14 = arith.andi %shift_right_logical3A_13, %and3A : i32
      %and3A_15 = arith.constant 7 : i32
      %and3A_16 = arith.andi %scan3A_10, %and3A_15 : i32
      %mul3A_17 = arith.constant 16 : i32
      %mul3A_18 = arith.muli %and3A_16, %mul3A_17 : i32
      %ge3A = arith.constant 2 : i32
      %ge3A_19 = arith.cmpi sge, %and3A_14, %ge3A : i32
      %select_n3A = arith.constant 4 : i32
      %select_n3A_20 = arith.select %ge3A_19, %select_n3A, %and3A_14 : i32
      %mul3A_21 = arith.constant 128 : i32
      %mul3A_22 = arith.muli %shift_right_logical3A_11, %mul3A_21 : i32
      %add3A_23 = arith.addi %mul3A_22, %mul3A_18 : i32
      %add3A_24 = vector.broadcast %add3A_23 : i32 to vector<16xi32>
      %add3A_25 = arith.addi %add3A_24, %iota3A : vector<16xi32>
      %broadcast_in_dim3A = vector.broadcast %select_n3A_20 : i32 to vector<16xi32>
      %gather3A = tpu.vector_load_idx %arg4[%add3A_25, %broadcast_in_dim3A] : memref<512x8xf32, #tpu.memory_space<vmem>>[vector<16xi32>, vector<16xi32>], vector<16xf32>,
      %swap3A = arith.index_cast %shift_right_logical3A_11 : i32 to index
      %swap3A_26 = arith.index_cast %and3A_14 : i32 to index
      %swap3A_27 = arith.index_cast %mul3A_18 : i32 to index
      %swap3A_28 = tpu.vector_load %arg5[%swap3A, %swap3A_26, %swap3A_27] {strides = array<i32>} : memref<4x4x128xf32, #tpu.memory_space<vmem>>, vector<16xf32>,
      tpu.vector_store %arg5[%swap3A, %swap3A_26, %swap3A_27], %gather3A {strides = array<i32>} : memref<4x4x128xf32, #tpu.memory_space<vmem>>, vector<16xf32>,
      %scan3A_29 = arith.constant 1 : i32
      %scan3A_30 = arith.addi %scan3A_10, %scan3A_29 : i32
      %shift_right_logical3A_31 = arith.constant 5 : i32
      %shift_right_logical3A_32 = arith.shrui %scan3A_30, %shift_right_logical3A_31 : i32
      %shift_right_logical3A_33 = arith.constant 3 : i32
      %shift_right_logical3A_34 = arith.shrui %scan3A_30, %shift_right_logical3A_33 : i32
      %and3A_35 = arith.constant 3 : i32
      %and3A_36 = arith.andi %shift_right_logical3A_34, %and3A_35 : i32
      %and3A_37 = arith.constant 7 : i32
      %and3A_38 = arith.andi %scan3A_30, %and3A_37 : i32
      %mul3A_39 = arith.constant 16 : i32
      %mul3A_40 = arith.muli %and3A_38, %mul3A_39 : i32
      %ge3A_41 = arith.constant 2 : i32
      %ge3A_42 = arith.cmpi sge, %and3A_36, %ge3A_41 : i32
      %select_n3A_43 = arith.constant 4 : i32
      %select_n3A_44 = arith.select %ge3A_42, %select_n3A_43, %and3A_36 : i32
      %mul3A_45 = arith.constant 128 : i32
      %mul3A_46 = arith.muli %shift_right_logical3A_32, %mul3A_45 : i32
      %add3A_47 = arith.addi %mul3A_46, %mul3A_40 : i32
      %add3A_48 = vector.broadcast %add3A_47 : i32 to vector<16xi32>
      %add3A_49 = arith.addi %add3A_48, %iota3A : vector<16xi32>
      %broadcast_in_dim3A_50 = vector.broadcast %select_n3A_44 : i32 to vector<16xi32>
      %gather3A_51 = tpu.vector_load_idx %arg4[%add3A_49, %broadcast_in_dim3A_50] : memref<512x8xf32, #tpu.memory_space<vmem>>[vector<16xi32>, vector<16xi32>], vector<16xf32>,
      %swap3A_52 = arith.index_cast %shift_right_logical3A_32 : i32 to index
      %swap3A_53 = arith.index_cast %and3A_36 : i32 to index
      %swap3A_54 = arith.index_cast %mul3A_40 : i32 to index
      %swap3A_55 = tpu.vector_load %arg5[%swap3A_52, %swap3A_53, %swap3A_54] {strides = array<i32>} : memref<4x4x128xf32, #tpu.memory_space<vmem>>, vector<16xf32>,
      tpu.vector_store %arg5[%swap3A_52, %swap3A_53, %swap3A_54], %gather3A_51 {strides = array<i32>} : memref<4x4x128xf32, #tpu.memory_space<vmem>>, vector<16xf32>,
      %scan3A_56 = arith.constant 2 : i32
      %scan3A_57 = arith.addi %scan3A_10, %scan3A_56 : i32
      %shift_right_logical3A_58 = arith.constant 5 : i32
      %shift_right_logical3A_59 = arith.shrui %scan3A_57, %shift_right_logical3A_58 : i32
      %shift_right_logical3A_60 = arith.constant 3 : i32
      %shift_right_logical3A_61 = arith.shrui %scan3A_57, %shift_right_logical3A_60 : i32
      %and3A_62 = arith.constant 3 : i32
      %and3A_63 = arith.andi %shift_right_logical3A_61, %and3A_62 : i32
      %and3A_64 = arith.constant 7 : i32
      %and3A_65 = arith.andi %scan3A_57, %and3A_64 : i32
      %mul3A_66 = arith.constant 16 : i32
      %mul3A_67 = arith.muli %and3A_65, %mul3A_66 : i32
      %ge3A_68 = arith.constant 2 : i32
      %ge3A_69 = arith.cmpi sge, %and3A_63, %ge3A_68 : i32
      %select_n3A_70 = arith.constant 4 : i32
      %select_n3A_71 = arith.select %ge3A_69, %select_n3A_70, %and3A_63 : i32
      %mul3A_72 = arith.constant 128 : i32
      %mul3A_73 = arith.muli %shift_right_logical3A_59, %mul3A_72 : i32
      %add3A_74 = arith.addi %mul3A_73, %mul3A_67 : i32
      %add3A_75 = vector.broadcast %add3A_74 : i32 to vector<16xi32>
      %add3A_76 = arith.addi %add3A_75, %iota3A : vector<16xi32>
      %broadcast_in_dim3A_77 = vector.broadcast %select_n3A_71 : i32 to vector<16xi32>
      %gather3A_78 = tpu.vector_load_idx %arg4[%add3A_76, %broadcast_in_dim3A_77] : memref<512x8xf32, #tpu.memory_space<vmem>>[vector<16xi32>, vector<16xi32>], vector<16xf32>,
      %swap3A_79 = arith.index_cast %shift_right_logical3A_59 : i32 to index
      %swap3A_80 = arith.index_cast %and3A_63 : i32 to index
      %swap3A_81 = arith.index_cast %mul3A_67 : i32 to index
      %swap3A_82 = tpu.vector_load %arg5[%swap3A_79, %swap3A_80, %swap3A_81] {strides = array<i32>} : memref<4x4x128xf32, #tpu.memory_space<vmem>>, vector<16xf32>,
      tpu.vector_store %arg5[%swap3A_79, %swap3A_80, %swap3A_81], %gather3A_78 {strides = array<i32>} : memref<4x4x128xf32, #tpu.memory_space<vmem>>, vector<16xf32>,
      %scan3A_83 = arith.constant 3 : i32
      %scan3A_84 = arith.addi %scan3A_10, %scan3A_83 : i32
      %shift_right_logical3A_85 = arith.constant 5 : i32
      %shift_right_logical3A_86 = arith.shrui %scan3A_84, %shift_right_logical3A_85 : i32
      %shift_right_logical3A_87 = arith.constant 3 : i32
      %shift_right_logical3A_88 = arith.shrui %scan3A_84, %shift_right_logical3A_87 : i32
      %and3A_89 = arith.constant 3 : i32
      %and3A_90 = arith.andi %shift_right_logical3A_88, %and3A_89 : i32
      %and3A_91 = arith.constant 7 : i32
      %and3A_92 = arith.andi %scan3A_84, %and3A_91 : i32
      %mul3A_93 = arith.constant 16 : i32
      %mul3A_94 = arith.muli %and3A_92, %mul3A_93 : i32
      %ge3A_95 = arith.constant 2 : i32
      %ge3A_96 = arith.cmpi sge, %and3A_90, %ge3A_95 : i32
      %select_n3A_97 = arith.constant 4 : i32
      %select_n3A_98 = arith.select %ge3A_96, %select_n3A_97, %and3A_90 : i32
      %mul3A_99 = arith.constant 128 : i32
      %mul3A_100 = arith.muli %shift_right_logical3A_86, %mul3A_99 : i32
      %add3A_101 = arith.addi %mul3A_100, %mul3A_94 : i32
      %add3A_102 = vector.broadcast %add3A_101 : i32 to vector<16xi32>
      %add3A_103 = arith.addi %add3A_102, %iota3A : vector<16xi32>
      %broadcast_in_dim3A_104 = vector.broadcast %select_n3A_98 : i32 to vector<16xi32>
      %gather3A_105 = tpu.vector_load_idx %arg4[%add3A_103, %broadcast_in_dim3A_104] : memref<512x8xf32, #tpu.memory_space<vmem>>[vector<16xi32>, vector<16xi32>], vector<16xf32>,
      %swap3A_106 = arith.index_cast %shift_right_logical3A_86 : i32 to index
      %swap3A_107 = arith.index_cast %and3A_90 : i32 to index
      %swap3A_108 = arith.index_cast %mul3A_94 : i32 to index
      %swap3A_109 = tpu.vector_load %arg5[%swap3A_106, %swap3A_107, %swap3A_108] {strides = array<i32>} : memref<4x4x128xf32, #tpu.memory_space<vmem>>, vector<16xf32>,
      tpu.vector_store %arg5[%swap3A_106, %swap3A_107, %swap3A_108], %gather3A_105 {strides = array<i32>} : memref<4x4x128xf32, #tpu.memory_space<vmem>>, vector<16xf32>,
      %scan3A_110 = arith.constant 4 : i32
      %scan3A_111 = arith.addi %scan3A_10, %scan3A_110 : i32
      %shift_right_logical3A_112 = arith.constant 5 : i32
      %shift_right_logical3A_113 = arith.shrui %scan3A_111, %shift_right_logical3A_112 : i32
      %shift_right_logical3A_114 = arith.constant 3 : i32
      %shift_right_logical3A_115 = arith.shrui %scan3A_111, %shift_right_logical3A_114 : i32
      %and3A_116 = arith.constant 3 : i32
      %and3A_117 = arith.andi %shift_right_logical3A_115, %and3A_116 : i32
      %and3A_118 = arith.constant 7 : i32
      %and3A_119 = arith.andi %scan3A_111, %and3A_118 : i32
      %mul3A_120 = arith.constant 16 : i32
      %mul3A_121 = arith.muli %and3A_119, %mul3A_120 : i32
      %ge3A_122 = arith.constant 2 : i32
      %ge3A_123 = arith.cmpi sge, %and3A_117, %ge3A_122 : i32
      %select_n3A_124 = arith.constant 4 : i32
      %select_n3A_125 = arith.select %ge3A_123, %select_n3A_124, %and3A_117 : i32
      %mul3A_126 = arith.constant 128 : i32
      %mul3A_127 = arith.muli %shift_right_logical3A_113, %mul3A_126 : i32
      %add3A_128 = arith.addi %mul3A_127, %mul3A_121 : i32
      %add3A_129 = vector.broadcast %add3A_128 : i32 to vector<16xi32>
      %add3A_130 = arith.addi %add3A_129, %iota3A : vector<16xi32>
      %broadcast_in_dim3A_131 = vector.broadcast %select_n3A_125 : i32 to vector<16xi32>
      %gather3A_132 = tpu.vector_load_idx %arg4[%add3A_130, %broadcast_in_dim3A_131] : memref<512x8xf32, #tpu.memory_space<vmem>>[vector<16xi32>, vector<16xi32>], vector<16xf32>,
      %swap3A_133 = arith.index_cast %shift_right_logical3A_113 : i32 to index
      %swap3A_134 = arith.index_cast %and3A_117 : i32 to index
      %swap3A_135 = arith.index_cast %mul3A_121 : i32 to index
      %swap3A_136 = tpu.vector_load %arg5[%swap3A_133, %swap3A_134, %swap3A_135] {strides = array<i32>} : memref<4x4x128xf32, #tpu.memory_space<vmem>>, vector<16xf32>,
      tpu.vector_store %arg5[%swap3A_133, %swap3A_134, %swap3A_135], %gather3A_132 {strides = array<i32>} : memref<4x4x128xf32, #tpu.memory_space<vmem>>, vector<16xf32>,
      %scan3A_137 = arith.constant 5 : i32
      %scan3A_138 = arith.addi %scan3A_10, %scan3A_137 : i32
      %shift_right_logical3A_139 = arith.constant 5 : i32
      %shift_right_logical3A_140 = arith.shrui %scan3A_138, %shift_right_logical3A_139 : i32
      %shift_right_logical3A_141 = arith.constant 3 : i32
      %shift_right_logical3A_142 = arith.shrui %scan3A_138, %shift_right_logical3A_141 : i32
      %and3A_143 = arith.constant 3 : i32
      %and3A_144 = arith.andi %shift_right_logical3A_142, %and3A_143 : i32
      %and3A_145 = arith.constant 7 : i32
      %and3A_146 = arith.andi %scan3A_138, %and3A_145 : i32
      %mul3A_147 = arith.constant 16 : i32
      %mul3A_148 = arith.muli %and3A_146, %mul3A_147 : i32
      %ge3A_149 = arith.constant 2 : i32
      %ge3A_150 = arith.cmpi sge, %and3A_144, %ge3A_149 : i32
      %select_n3A_151 = arith.constant 4 : i32
      %select_n3A_152 = arith.select %ge3A_150, %select_n3A_151, %and3A_144 : i32
      %mul3A_153 = arith.constant 128 : i32
      %mul3A_154 = arith.muli %shift_right_logical3A_140, %mul3A_153 : i32
      %add3A_155 = arith.addi %mul3A_154, %mul3A_148 : i32
      %add3A_156 = vector.broadcast %add3A_155 : i32 to vector<16xi32>
      %add3A_157 = arith.addi %add3A_156, %iota3A : vector<16xi32>
      %broadcast_in_dim3A_158 = vector.broadcast %select_n3A_152 : i32 to vector<16xi32>
      %gather3A_159 = tpu.vector_load_idx %arg4[%add3A_157, %broadcast_in_dim3A_158] : memref<512x8xf32, #tpu.memory_space<vmem>>[vector<16xi32>, vector<16xi32>], vector<16xf32>,
      %swap3A_160 = arith.index_cast %shift_right_logical3A_140 : i32 to index
      %swap3A_161 = arith.index_cast %and3A_144 : i32 to index
      %swap3A_162 = arith.index_cast %mul3A_148 : i32 to index
      %swap3A_163 = tpu.vector_load %arg5[%swap3A_160, %swap3A_161, %swap3A_162] {strides = array<i32>} : memref<4x4x128xf32, #tpu.memory_space<vmem>>, vector<16xf32>,
      tpu.vector_store %arg5[%swap3A_160, %swap3A_161, %swap3A_162], %gather3A_159 {strides = array<i32>} : memref<4x4x128xf32, #tpu.memory_space<vmem>>, vector<16xf32>,
      %scan3A_164 = arith.constant 6 : i32
      %scan3A_165 = arith.addi %scan3A_10, %scan3A_164 : i32
      %shift_right_logical3A_166 = arith.constant 5 : i32
      %shift_right_logical3A_167 = arith.shrui %scan3A_165, %shift_right_logical3A_166 : i32
      %shift_right_logical3A_168 = arith.constant 3 : i32
      %shift_right_logical3A_169 = arith.shrui %scan3A_165, %shift_right_logical3A_168 : i32
      %and3A_170 = arith.constant 3 : i32
      %and3A_171 = arith.andi %shift_right_logical3A_169, %and3A_170 : i32
      %and3A_172 = arith.constant 7 : i32
      %and3A_173 = arith.andi %scan3A_165, %and3A_172 : i32
      %mul3A_174 = arith.constant 16 : i32
      %mul3A_175 = arith.muli %and3A_173, %mul3A_174 : i32
      %ge3A_176 = arith.constant 2 : i32
      %ge3A_177 = arith.cmpi sge, %and3A_171, %ge3A_176 : i32
      %select_n3A_178 = arith.constant 4 : i32
      %select_n3A_179 = arith.select %ge3A_177, %select_n3A_178, %and3A_171 : i32
      %mul3A_180 = arith.constant 128 : i32
      %mul3A_181 = arith.muli %shift_right_logical3A_167, %mul3A_180 : i32
      %add3A_182 = arith.addi %mul3A_181, %mul3A_175 : i32
      %add3A_183 = vector.broadcast %add3A_182 : i32 to vector<16xi32>
      %add3A_184 = arith.addi %add3A_183, %iota3A : vector<16xi32>
      %broadcast_in_dim3A_185 = vector.broadcast %select_n3A_179 : i32 to vector<16xi32>
      %gather3A_186 = tpu.vector_load_idx %arg4[%add3A_184, %broadcast_in_dim3A_185] : memref<512x8xf32, #tpu.memory_space<vmem>>[vector<16xi32>, vector<16xi32>], vector<16xf32>,
      %swap3A_187 = arith.index_cast %shift_right_logical3A_167 : i32 to index
      %swap3A_188 = arith.index_cast %and3A_171 : i32 to index
      %swap3A_189 = arith.index_cast %mul3A_175 : i32 to index
      %swap3A_190 = tpu.vector_load %arg5[%swap3A_187, %swap3A_188, %swap3A_189] {strides = array<i32>} : memref<4x4x128xf32, #tpu.memory_space<vmem>>, vector<16xf32>,
      tpu.vector_store %arg5[%swap3A_187, %swap3A_188, %swap3A_189], %gather3A_186 {strides = array<i32>} : memref<4x4x128xf32, #tpu.memory_space<vmem>>, vector<16xf32>,
      %scan3A_191 = arith.constant 7 : i32
      %scan3A_192 = arith.addi %scan3A_10, %scan3A_191 : i32
      %shift_right_logical3A_193 = arith.constant 5 : i32
      %shift_right_logical3A_194 = arith.shrui %scan3A_192, %shift_right_logical3A_193 : i32
      %shift_right_logical3A_195 = arith.constant 3 : i32
      %shift_right_logical3A_196 = arith.shrui %scan3A_192, %shift_right_logical3A_195 : i32
      %and3A_197 = arith.constant 3 : i32
      %and3A_198 = arith.andi %shift_right_logical3A_196, %and3A_197 : i32
      %and3A_199 = arith.constant 7 : i32
      %and3A_200 = arith.andi %scan3A_192, %and3A_199 : i32
      %mul3A_201 = arith.constant 16 : i32
      %mul3A_202 = arith.muli %and3A_200, %mul3A_201 : i32
      %ge3A_203 = arith.constant 2 : i32
      %ge3A_204 = arith.cmpi sge, %and3A_198, %ge3A_203 : i32
      %select_n3A_205 = arith.constant 4 : i32
      %select_n3A_206 = arith.select %ge3A_204, %select_n3A_205, %and3A_198 : i32
      %mul3A_207 = arith.constant 128 : i32
      %mul3A_208 = arith.muli %shift_right_logical3A_194, %mul3A_207 : i32
      %add3A_209 = arith.addi %mul3A_208, %mul3A_202 : i32
      %add3A_210 = vector.broadcast %add3A_209 : i32 to vector<16xi32>
      %add3A_211 = arith.addi %add3A_210, %iota3A : vector<16xi32>
      %broadcast_in_dim3A_212 = vector.broadcast %select_n3A_206 : i32 to vector<16xi32>
      %gather3A_213 = tpu.vector_load_idx %arg4[%add3A_211, %broadcast_in_dim3A_212] : memref<512x8xf32, #tpu.memory_space<vmem>>[vector<16xi32>, vector<16xi32>], vector<16xf32>,
      %swap3A_214 = arith.index_cast %shift_right_logical3A_194 : i32 to index
      %swap3A_215 = arith.index_cast %and3A_198 : i32 to index
      %swap3A_216 = arith.index_cast %mul3A_202 : i32 to index
      %swap3A_217 = tpu.vector_load %arg5[%swap3A_214, %swap3A_215, %swap3A_216] {strides = array<i32>} : memref<4x4x128xf32, #tpu.memory_space<vmem>>, vector<16xf32>,
      tpu.vector_store %arg5[%swap3A_214, %swap3A_215, %swap3A_216], %gather3A_213 {strides = array<i32>} : memref<4x4x128xf32, #tpu.memory_space<vmem>>, vector<16xf32>,
    }
    %scan3A_7 = arith.constant 128 : i32
    %mul3A_8 = arith.constant 4 : i32
    %mul3A_9 = arith.muli %add3A, %mul3A_8 : i32
    "tpu.region"() ({
      %run_scoped3A = tpu.sem_alloc : memref<!tpu.dma_semaphore, #tpu.memory_space<semaphore_mem>>
      %dma_start3A = arith.constant 0 : i32
      %dma_start3A_10 = arith.constant 0 : i32
      %dma_start3A_11 = tpu.memref_slice %arg3[%mul3A_9, %dma_start3A, %dma_start3A_10] : memref<128x4x128xf32, #tpu.memory_space<hbm>> -> memref<4x4x128xf32, #tpu.memory_space<hbm>>
      %dma_start3A_12 = arith.constant 0 : i32
      %dma_start3A_13 = arith.constant 0 : i32
      %dma_start3A_14 = tpu.memref_slice %arg3[%mul3A_9, %dma_start3A_12, %dma_start3A_13] : memref<128x4x128xf32, #tpu.memory_space<hbm>> -> memref<4x4x128xf32, #tpu.memory_space<hbm>>
      tpu.enqueue_dma source(%arg5 : memref<4x4x128xf32, #tpu.memory_space<vmem>>) target(%dma_start3A_14 : memref<4x4x128xf32, #tpu.memory_space<hbm>>) target_semaphore(%run_scoped3A : memref<!tpu.dma_semaphore, #tpu.memory_space<semaphore_mem>>)
      %dma_wait3A = arith.constant 0 : i32
      %dma_wait3A_15 = arith.constant 0 : i32
      %dma_wait3A_16 = tpu.memref_slice %arg3[%mul3A_9, %dma_wait3A, %dma_wait3A_15] : memref<128x4x128xf32, #tpu.memory_space<hbm>> -> memref<4x4x128xf32, #tpu.memory_space<hbm>>
      %dma_wait3A_17 = arith.constant 0 : i32
      %dma_wait3A_18 = arith.constant 0 : i32
      %dma_wait3A_19 = tpu.memref_slice %arg3[%mul3A_9, %dma_wait3A_17, %dma_wait3A_18] : memref<128x4x128xf32, #tpu.memory_space<hbm>> -> memref<4x4x128xf32, #tpu.memory_space<hbm>>
      tpu.wait_dma2 semaphore(%run_scoped3A : memref<!tpu.dma_semaphore, #tpu.memory_space<semaphore_mem>>) src(%arg5 : memref<4x4x128xf32, #tpu.memory_space<vmem>>) dst(%dma_wait3A_19 : memref<4x4x128xf32, #tpu.memory_space<hbm>>)
      tpu.yield
    }) : () -> ()
    return
  }
}

</mosaic_0001>

<sc_bundles>
// kernel: kernel.3.cloned.1.call-start
scs
__scs_entry_jumppad:
0x0: {  	(pc) =	sbr.rel $0x88, $3  }
0x1: {  	(tag) =	ssettag $0x0;
	lr =	simm.s32 $0x1  }
0x2: {  	[smem:$0x3FA0] =	sst lr;
	_ =	strace $0xD0000000  }
0x3: {  	_ = 	snop  }
0x4: {  	_ = 	snop  }
0x5: {  	_ = 	snop  }
0x6: {  	_ = 	snop  }
0x7: {  	_ = 	snop  }
__scs_overlays_trampoline_lowered:
0x8: {  	[smem:$0x3FAF] =	sst s0  }
0x9: {  	[smem:$0x3FB0] =	sst s1  }
0xa: {  	[smem:$0x3FB1] =	sst s2  }
0xb: {  	[smem:$0x3FB2] =	sst s3  }
0xc: {  	[smem:$0x3FB3] =	sst s4  }
0xd: {  	[smem:$0x3FB4] =	sst s5  }
0xe: {  	[smem:$0x3FB5] =	sst s6  }
0xf: {  	[smem:$0x3FB6] =	sst s7  }
0x10: {  	[smem:$0x3FB7] =	sst s8  }
0x11: {  	[smem:$0x3FB8] =	sst s9;
	s0 =	simm.s32 @!p0 $0x0  }
0x12: {  	s1 =	sld [smem:$0x3F9E];
	s0 =	simm.s32 @p0 $0x1  }
0x13: {  	[smem:$0x3FB9] =	sst s0;
	s0 =	simm.s32 @!p1 $0x0  }
0x14: {  	s2 =	sld [smem:$0x3F9D];
	s0 =	simm.s32 @p1 $0x1  }
0x15: {  	[smem:$0x3FBA] =	sst s0;
	s0 =	simm.s32 @!p2 $0x0  }
0x16: {  	s3 =	sld [smem:$0x3FDB];
	s0 =	simm.s32 @p2 $0x1  }
0x17: {  	s4 =	simm.s32 $0x1BF5;
	[smem:$0x3FBC] =	sst s0  }
0x18: {  	s0 =	sld [smem:$0x3F9F];
	_ =	swait.ge [sflag:s4], $0x0  }
0x19: {  	s7 =	sld [smem:$0x3FA0]  }
0x1a: {  	s8 =	sadd.s32 $0xFFFFE003, lr  }
0x1b: {  	s9 =	sadd.s32 $0xFFFFFEF7, lr;
	s5 =	simm.s32 $0xFFFFFFFF;
	p2 =	slt.u32 s8, $0xFFFFF086  }
0x1c: {  	p1 =	slt.u32 s9, $0xF7A;
	s5 =	simm.s32 @!p2 $0x0  }
0x1d: {  	s5 =	simm.s32 @p1 $0x1;
	p0 =	seq.s32 s7, s2  }
0x1e: {  	s7 =	smul.u32 @!p0 $0xF7A, s2;
	p2 =	seq.s32 @!p0 s5, $0x0  }
0x1f: {  	s9 =	smul.u32 $0xF7A, s1;
	s8 =	simm.s32 @!p0 $0x1BF5;
	p2 =	por !p2, p0  }
0x20: {  	[sflag:s8] =	ssyncset.s32 @!p0 $0xFFFFF086;
	s6 =	sadd.s32 @!p0 s3, s7;
	s7 =	simm.s32 @!p0 $0x108  }
0x21: {  	s3 =	sadd.s32 s3, s9;
	s6 =	sadd.s32 @!p0 $0x88, s6;
	s7 =	simm.s32 @p2 $0x1082  }
0x22: {  	[simem:s7], [sflag:s8] =	dma.local @!p0 [hbm:s6], $0xF7A  }
0x23: {  	s9 =	sor.u32 $0xD0000000, s2;
	s6 =	simm.s32 $0x108;
	_ =	swait.ge @!p0 [sflag:s8], $0x0  }
0x24: {  	s3 =	sadd.s32 $0x88, s3;
	s6 =	simm.s32 @!p1 $0x1082;
	[sflag:s4] =	ssyncset.s32 $0xFFFFF086  }
0x25: {  	[simem:s6], [sflag:s4] =	dma.local [hbm:s3], $0xF7A  }
0x26: {  	[smem:$0x3FA0] =	sst s1;
	(tag) =	ssettag s2;
	_ =	strace s9  }
0x27: {  	s1 =	sld [smem:$0x3FB0]  }
0x28: {  	s2 =	sld [smem:$0x3FB1]  }
0x29: {  	s4 =	sld [smem:$0x3FB3]  }
0x2a: {  	p0 =	seq.s32 s5, $0x0;
	s5 =	sld [smem:$0x3FB4]  }
0x2b: {  	s6 =	sld [smem:$0x3FB5]  }
0x2c: {  	s7 =	sld [smem:$0x3FB6]  }
0x2d: {  	s3 =	simm.s32 $0x108;
	s8 =	sld [smem:$0x3FB7]  }
0x2e: {  	s3 =	simm.s32 @!p0 $0x1082;
	s9 =	sld [smem:$0x3FB8]  }
0x2f: {  	lr =	sadd.s32 s0, s3;
	s0 =	sld [smem:$0x3FAF]  }
0x30: {  	s3 =	sld [smem:$0x3FB2]  }
0x31: {  	[smem:$0x3FBB] =	sst s10  }
0x32: {  	s10 =	sld [smem:$0x3FB9];
	_ =	sdelay $0x3  }
0x33: {  	p0 =	seq.s32 s10, $0x1;
	s10 =	sld [smem:$0x3FBB];
	_ =	sdelay $0x3  }
0x34: {  	[smem:$0x3FBB] =	sst s10  }
0x35: {  	s10 =	sld [smem:$0x3FBA];
	_ =	sdelay $0x3  }
0x36: {  	p1 =	seq.s32 s10, $0x1;
	s10 =	sld [smem:$0x3FBB];
	_ =	sdelay $0x3  }
0x37: {  	[smem:$0x3FBB] =	sst s10  }
0x38: {  	s10 =	sld [smem:$0x3FBC]  }
0x39: {  	_ = 	snop;
	(pc) =	sbr.ind lr, $3  }
0x3a: {  	_ = 	snop  }
0x3b: {  	_ = 	snop  }
0x3c: {  	p2 =	seq.s32 s10, $0x1;
	s10 =	sld [smem:$0x3FBB]  }
0x3d: {  	_ =	shalt  }
0x3e: {  	_ =	shalt  }
0x3f: {  	_ =	shalt  }
0x40: {  	_ =	shalt  }
0x41: {  	_ =	shalt  }
0x42: {  	_ =	shalt  }
0x43: {  	_ =	shalt  }
0x44: {  	_ =	shalt  }
0x45: {  	_ =	shalt  }
0x46: {  	_ =	shalt  }
0x47: {  	_ =	shalt  }
0x48: {  	_ =	shalt  }
0x49: {  	_ =	shalt  }
0x4a: {  	_ =	shalt  }
0x4b: {  	_ =	shalt  }
0x4c: {  	_ =	shalt  }
0x4d: {  	_ =	shalt  }
0x4e: {  	_ =	shalt  }
0x4f: {  	_ =	shalt  }
0x50: {  	_ =	shalt  }
0x51: {  	_ =	shalt  }
0x52: {  	_ =	shalt  }
0x53: {  	_ =	shalt  }
0x54: {  	_ =	shalt  }
0x55: {  	_ =	shalt  }
0x56: {  	_ =	shalt  }
0x57: {  	_ =	shalt  }
0x58: {  	_ =	shalt  }
0x59: {  	_ =	shalt  }
0x5a: {  	_ =	shalt  }
0x5b: {  	_ =	shalt  }
0x5c: {  	_ =	shalt  }
0x5d: {  	_ =	shalt  }
0x5e: {  	_ =	shalt  }
0x5f: {  	_ =	shalt  }
0x60: {  	_ =	shalt  }
0x61: {  	_ =	shalt  }
0x62: {  	_ =	shalt  }
0x63: {  	_ =	shalt  }
0x64: {  	_ =	shalt  }
0x65: {  	_ =	shalt  }
0x66: {  	_ =	shalt  }
0x67: {  	_ =	shalt  }
0x68: {  	_ =	shalt  }
0x69: {  	_ =	shalt  }
0x6a: {  	_ =	shalt  }
0x6b: {  	_ =	shalt  }
0x6c: {  	_ =	shalt  }
0x6d: {  	_ =	shalt  }
0x6e: {  	_ =	shalt  }
0x6f: {  	_ =	shalt  }
0x70: {  	_ =	shalt  }
0x71: {  	_ =	shalt  }
0x72: {  	_ =	shalt  }
0x73: {  	_ =	shalt  }
0x74: {  	_ =	shalt  }
0x75: {  	_ =	shalt  }
0x76: {  	_ =	shalt  }
0x77: {  	_ =	shalt  }
0x78: {  	_ =	shalt  }
0x79: {  	_ =	shalt  }
0x7a: {  	_ =	shalt  }
0x7b: {  	_ =	shalt  }
0x7c: {  	_ =	shalt  }
0x7d: {  	_ =	shalt  }
0x7e: {  	_ =	shalt  }
0x7f: {  	_ =	shalt  }
0x80: {  	_ =	shalt  }
0x81: {  	_ =	shalt  }
0x82: {  	_ =	shalt  }
0x83: {  	_ =	shalt  }
0x84: {  	_ =	shalt  }
0x85: {  	_ =	shalt  }
0x86: {  	_ =	shalt  }
0x87: {  	_ =	shalt  }
.Lfunc_end0:
.L_simem_size_0:
called_computation_lowered:
.L_overlay_start_0:
0x88: {  	s2 =	sld [smem:$0x3FD9]  }
0x89: {  	s3 =	sld [smem:$0x3FFE];
	_ =	sdelay $0x1  }
0x8a: {  	s1 =	srdreg.scid  }
0x8b: {  	s0 =	sand.u32 $0x1, s1  }
0x8c: {  	s18 =	sshll.u32 s0, $0xA;
	s2 =	sadd.s32 s3, s2  }
0x8d: {  	s2 =	sadd.s32 s2, s18  }
0x8e: {  	[smem:$0x3FC7] =	sst s2  }
0x8f: {  	_ = 	snop  }
0x90: {  	s2 =	sld [smem:$0x3FC9]  }
0x91: {  	s19 =	sld [smem:$0x3FD0];
	(tm) =	ssettm $0x1  }
0x92: {  	s4 =	sld [smem:$0x3FFB];
	_ =	sdelay $0x3  }
0x93: {  	_ =	strace s4  }
0x94: {  	s4 =	sld [smem:$0x3FFC];
	_ =	sdelay $0x3  }
0x95: {  	_ =	strace s4  }
0x96: {  	s4 =	sld [smem:$0x3FFD];
	_ =	sdelay $0x3  }
0x97: {  	_ =	strace s4  }
0x98: {  	_ =	strace $0x8FFFFFFF  }
0x99: {  	s20 =	sld [smem:$0x3FDB];
	_ =	sdelay $0x1  }
0x9a: {  	s5 =	simm.s32 $_scs_section_size  }
0x9b: {  	s6 =	simm.s32 $_size__tile_overlayer_lowered;
	s7 =	simm.s32 $_tile_overlayer_lowered  }
0x9c: {  	s23 =	simm.s32 $0x1BFF;
	s22 =	sshll.u32 s7, $0x1;
	s4 =	sadd.s32 s5, s20  }
0x9d: {  	s8 =	simm.s32 $0x0;
	s21 =	sshll.u32 s6, $0x1;
	s6 =	sadd.s32 s22, s4  }
0x9e: {  	[timem:s8], [sflag:s23] =	dma.local [hbm:s6], s21  }
0x9f: {  	_ =	swait.ge [sflag:s23], s21  }
0xa0: {  	s5 =	ssub.s32 $0x0, s21;
	[sflag:s23] =	ssyncset.done $0x0  }
0xa1: {  	[sflag:s23] =	ssyncadd.s32 s5;
	_ =	sdelay $0x1  }
0xa2: {  	s24 =	simm.s32 $0x1B8B  }
0xa3: {  	_ =	swait.ge [sflag:s24], $0x1  }
0xa4: {  	[sflag:s24] =	ssyncset.done $0x0  }
0xa5: {  	s25 =	simm.s32 $0x1B8E;
	[sflag:s24] =	ssyncadd.s32 $0xFFFFFFFF  }
0xa6: {  	s26 =	simm.s32 $execute0_lowered;
	[smem:$0x3FD2] =	sst s25  }
0xa7: {  	s5 =	sshll.u32 s26, $0x1;
	_ =	strace $0x80000046;
	[dreg:$0x1] =	wrdreg $0xFFFFFFFF  }
0xa8: {  	s28 =	simm.s32 $_size_execute0_lowered;
	s4 =	sadd.s32 s4, s5;
	[dreg:$0x0] =	wrdreg $0x0  }
0xa9: {  	s5 =	sshll.u32 s28, $0x1;
	[dreg:$0x2] =	wrdreg s4  }
0xaa: {  	[dreg:$0x3] =	wrdreg s5  }
0xab: {  	[dreg:$0x4] =	wrdreg $0xC0  }
0xac: {  	_ =	task [dreg:s8], $0x5FFFF  }
0xad: {  	[dreg:$0x1] =	wrdreg $0xFFFFFFFF  }
0xae: {  	[dreg:$0x0] =	wrdreg $0x60  }
0xaf: {  	[dreg:$0x2] =	wrdreg s2  }
0xb0: {  	[dreg:$0x3] =	wrdreg s19  }
0xb1: {  	[dreg:$0x4] =	wrdreg $0x9  }
0xb2: {  	_ =	task.clear_ibuf [dreg:s8], $0x5FFFF;
	_ =	strace $0x90000046  }
0xb3: {  	s29 =	simm.s32 $0x9;
	_ =	strace $0x80000048  }
0xb4: {  	_ =	swait.ge [sflag:s29], $0x1  }
0xb5: {  	[sflag:s29] =	ssyncadd.s32 $0xFFFFFFFF  }
0xb6: {  	_ =	strace $0x90000048  }
0xb7: {  	_ =	sfence  }
0xb8: {  	s30 =	sld [smem:$0x0];
	_ =	sdelay $0x2  }
0xb9: {  	s31 =	sshll.u32 s1, $0xD;
	s1 =	sshrl.u32 s1, $0x2  }
0xba: {  	s3 =	sand.u32 $0x4000, s31;
	s1 =	sadd.s32 s1, s30  }
0xbb: {  	s0 =	sor.u32 s3, s0;
	s1 =	sshll.u32 s1, $0x11  }
0xbc: {  	s0 =	sor.u32 s1, s0  }
0xbd: {  	s0 =	sadd.s32 $0x8F2B, s0  }
0xbe: {  	[sflag:s0] =	ssyncadd.remote.s32 $0x1  }
0xbf: {  	_ =	sfence.sel $0xFFFF  }
0xc0: {  	[dreg:$0x0] =	wrdreg $0xFFFFFFFF;
	(pc) =	sbr.abs _section_cstart, $3  }
0xc1: {  	[dreg:$0x1] =	wrdreg $0xFFFFFFFF  }
0xc2: {  	_ =	task.clear_ibuf [dreg:s8], $0x2FFFF;
	_ =	strace $0x9FFFFFFF  }
0xc3: {  	(tm) =	ssettm $0x7FFFFFFF  }
tec
execute0_lowered:
.L_overlay_start_1:
0x0: {  	(tag) =	ssettag $0x1  }
0x1: {  	s3 =	rddreg [dreg:$0x0]  }
0x2: {  	s4 =	rddreg [dreg:$0x1]  }
0x3: {  	s0 =	rddreg [dreg:$0x2]  }
0x4: {  	s2 =	simm.s32 $0x0;
	s5 =	srdreg.scid;
	s1 =	stileid.u32  }
0x5: {  	s9 =	simm.s32 $0x1000;
	s10 =	simm.s32 $0x0;
	s5 =	sand.u32 $0x1, s5  }
0x6: {  	[smem:$0x7FF] =	sst s2;
	s6 =	sshll.u32 s1, $0x1;
	s7 =	ssub.s32 $0x2, s5  }
0x7: {  	_ =	strace $0x80000047;
	s5 =	sor.u32 s5, s6;
	s31 =	sshrl.u32 s7, $0x1  }
0x8: {  	s8 =	sshll.u32 s5, $0xD;
	s5 =	sshll.u32 s5, $0x8;
	s6 =	ssub.s32 s7, s31  }
0x9: {  	v0 =	vlaneseq.u32;
	s3 =	sadd.s32 s3, s8;
	s4 =	sadd.s32 s4, s5;
	s7 =	simm.s32 $0x80  }
0xa: {  	v0 =	vmul.u32 $0x8, v0;
	s8 =	simm.s32 $0x1;
	s5 =	smax.u32 s6, $0x1;
	s6 =	simm.s32 $0x8  }
.LBB2_1:
0xb: {  	s11 =	simm.s32 $0x0  }
0xc: {  	s12 =	sand.u32 $0xFFFFFF80, s11  }
0xd: {  	s13 =	sand.u32 $0x3, s2;
	v1 =	vmov s12  }
0xe: {  	p0 =	sgt.u32 s13, $0x1;
	v1 =	vshll.u32 v1, $0x3  }
0xf: {  	s25 =	sshll.u32 s13, $0x7;
	s13 =	simm.s32 @p0 $0x4;
	v1 =	vor.u32 v0, v1  }
0x10: {  	v1 =	vor.u32 s13, v1  }
0x11: {  	[tilespmem:s2], [sflag:$0x1] =	stream.strided.gather [hbm4b:s3+s6], $0x1000, s7, s6, $0x38;
	[tilespmem:$0x1800] =	vst v63  }
0x12: {  	_ =	swait.ge [sflag:s8], $0x1000;
	s14 =	sor.u32 $0x10, s12  }
0x13: {  	[sflag:s8] =	ssyncset.done $0x0;
	v2 =	vmov s14  }
0x14: {  	[sflag:s8] =	ssyncadd.s32 $0xFFFFF000;
	v2 =	vshll.u32 v2, $0x3  }
0x15: {  	v2 =	vor.u32 v0, v2;
	v1 =	vld.idx.msk [tilespmem:v1+s2+$0x0], $0xffff  }
0x16: {  	v2 =	vor.u32 s13, v2  }
0x17: {  	s26 =	simm.s32 $0x0  }
0x18: {  	s15 =	sor.u32 $0x20, s12;
	s14 =	sand.u32 $0x3FFFFE00, s26  }
0x19: {  	v3 =	vmov s15;
	s11 =	sor.u32 s25, s14  }
0x1a: {  	[tilespmem:s11+$0x1000] =	vst v1;
	v1 =	vshll.u32 v3, $0x3  }
0x1b: {  	v2 =	vld.idx.msk [tilespmem:v2+s2+$0x0], $0xffff;
	v1 =	vor.u32 v0, v1  }
0x1c: {  	v1 =	vor.u32 s13, v1;
	_ =	sdelay $0x1  }
0x1d: {  	s28 =	sor.u32 $0x30, s12  }
0x1e: {  	v3 =	vmov s28  }
0x1f: {  	[tilespmem:s11+$0x1010] =	vst v2;
	v2 =	vshll.u32 v3, $0x3  }
0x20: {  	v1 =	vld.idx.msk [tilespmem:v1+s2+$0x0], $0xffff;
	v2 =	vor.u32 v0, v2  }
0x21: {  	v2 =	vor.u32 s13, v2;
	_ =	sdelay $0x1  }
0x22: {  	s29 =	sor.u32 $0x40, s12  }
0x23: {  	v3 =	vmov s29  }
0x24: {  	[tilespmem:s11+$0x1020] =	vst v1;
	v1 =	vshll.u32 v3, $0x3  }
0x25: {  	v2 =	vld.idx.msk [tilespmem:v2+s2+$0x0], $0xffff;
	v1 =	vor.u32 v0, v1  }
0x26: {  	v1 =	vor.u32 s13, v1;
	_ =	sdelay $0x1  }
0x27: {  	s30 =	sor.u32 $0x50, s12  }
0x28: {  	v3 =	vmov s30  }
0x29: {  	[tilespmem:s11+$0x1030] =	vst v2;
	v2 =	vshll.u32 v3, $0x3  }
0x2a: {  	v1 =	vld.idx.msk [tilespmem:v1+s2+$0x0], $0xffff;
	v2 =	vor.u32 v0, v2  }
0x2b: {  	v2 =	vor.u32 s13, v2;
	_ =	sdelay $0x1  }
0x2c: {  	s31 =	sor.u32 $0x60, s12  }
0x2d: {  	v3 =	vmov s31  }
0x2e: {  	[tilespmem:s11+$0x1040] =	vst v1;
	v1 =	vshll.u32 v3, $0x3  }
0x2f: {  	v2 =	vld.idx.msk [tilespmem:v2+s2+$0x0], $0xffff;
	v1 =	vor.u32 v0, v1  }
0x30: {  	v1 =	vor.u32 s13, v1;
	_ =	sdelay $0x1  }
0x31: {  	s12 =	sor.u32 $0x70, s12  }
0x32: {  	v3 =	vmov s12  }
0x33: {  	v3 =	vshll.u32 v3, $0x3;
	[tilespmem:s11+$0x1050] =	vst v2  }
0x34: {  	v2 =	vor.u32 v0, v3;
	v1 =	vld.idx.msk [tilespmem:v1+s2+$0x0], $0xffff  }
0x35: {  	s12 =	simm.s32 $0x0;
	v2 =	vor.u32 s13, v2;
	s13 =	simm.s32 $0x0  }
.LBB2_2:
0x36: {  	s12 =	sadd.s32 $0x8, s12  }
0x37: {  	s14 =	sshll.u32 s12, $0x2;
	p0 =	slt.u32 s12, $0x78  }
0x38: {  	s13 =	sadd.s32 $0x1, s13;
	s14 =	sand.u32 $0xFFFFFF80, s14  }
0x39: {  	s16 =	sand.u32 $0x3, s13;
	v3 =	vmov s14;
	[tilespmem:s11+$0x1060] =	vst v1  }
0x3a: {  	p1 =	sgt.u32 s16, $0x1;
	s15 =	smov.u32 s16;
	v1 =	vshll.u32 v3, $0x3;
	v2 =	vld.idx.msk [tilespmem:v2+s2+$0x0], $0xffff  }
0x3b: {  	s15 =	simm.s32 @p1 $0x4;
	v1 =	vor.u32 v0, v1  }
0x3c: {  	v1 =	vor.u32 s15, v1;
	_ =	sdelay $0x2  }
0x3d: {  	s17 =	sor.u32 $0x10, s14  }
0x3e: {  	v3 =	vmov s17;
	[tilespmem:s11+$0x1070] =	vst v2  }
0x3f: {  	v2 =	vshll.u32 v3, $0x3;
	v1 =	vld.idx.msk [tilespmem:v1+s2+$0x0], $0xffff  }
0x40: {  	v2 =	vor.u32 v0, v2  }
0x41: {  	v2 =	vor.u32 s15, v2  }
0x42: {  	s11 =	sshll.u32 s12, $0x4  }
0x43: {  	s16 =	sshll.u32 s16, $0x7;
	s11 =	sand.u32 $0x3FFFFE00, s11  }
0x44: {  	s11 =	sor.u32 s16, s11;
	s16 =	sor.u32 $0x20, s14  }
0x45: {  	[tilespmem:s11+$0x1000] =	vst v1;
	v1 =	vmov s16  }
0x46: {  	v2 =	vld.idx.msk [tilespmem:v2+s2+$0x0], $0xffff;
	v1 =	vshll.u32 v1, $0x3  }
0x47: {  	v1 =	vor.u32 v0, v1  }
0x48: {  	v1 =	vor.u32 s15, v1;
	_ =	sdelay $0x2  }
0x49: {  	s16 =	sor.u32 $0x30, s14  }
0x4a: {  	[tilespmem:s11+$0x1010] =	vst v2;
	v2 =	vmov s16  }
0x4b: {  	v1 =	vld.idx.msk [tilespmem:v1+s2+$0x0], $0xffff;
	v2 =	vshll.u32 v2, $0x3  }
0x4c: {  	v2 =	vor.u32 v0, v2  }
0x4d: {  	v2 =	vor.u32 s15, v2;
	_ =	sdelay $0x2  }
0x4e: {  	s16 =	sor.u32 $0x40, s14  }
0x4f: {  	[tilespmem:s11+$0x1020] =	vst v1;
	v1 =	vmov s16  }
0x50: {  	v2 =	vld.idx.msk [tilespmem:v2+s2+$0x0], $0xffff;
	v1 =	vshll.u32 v1, $0x3  }
0x51: {  	v1 =	vor.u32 v0, v1  }
0x52: {  	v1 =	vor.u32 s15, v1;
	_ =	sdelay $0x2  }
0x53: {  	s16 =	sor.u32 $0x50, s14  }
0x54: {  	[tilespmem:s11+$0x1030] =	vst v2;
	v2 =	vmov s16  }
0x55: {  	v1 =	vld.idx.msk [tilespmem:v1+s2+$0x0], $0xffff;
	v2 =	vshll.u32 v2, $0x3  }
0x56: {  	v2 =	vor.u32 v0, v2  }
0x57: {  	v2 =	vor.u32 s15, v2;
	_ =	sdelay $0x2  }
0x58: {  	s16 =	sor.u32 $0x60, s14  }
0x59: {  	[tilespmem:s11+$0x1040] =	vst v1;
	v1 =	vmov s16  }
0x5a: {  	v2 =	vld.idx.msk [tilespmem:v2+s2+$0x0], $0xffff;
	v1 =	vshll.u32 v1, $0x3  }
0x5b: {  	v1 =	vor.u32 v0, v1  }
0x5c: {  	v1 =	vor.u32 s15, v1;
	_ =	sdelay $0x2  }
.Ltmp0:
0x5d: {  	s14 =	sor.u32 $0x70, s14;
	(pc) =	sbr.rel @p0 .LBB2_2-.Ltmp0, $4  }
0x5e: {  	[tilespmem:s11+$0x1050] =	vst v2;
	v2 =	vmov s14  }
0x5f: {  	v1 =	vld.idx.msk [tilespmem:v1+s2+$0x0], $0xffff;
	v2 =	vshll.u32 v2, $0x3  }
0x60: {  	v2 =	vor.u32 v0, v2  }
0x61: {  	v2 =	vor.u32 s15, v2  }
0x62: {  	_ =	sdelay $0x2  }
0x63: {  	[tilespmem:s11+$0x1060] =	vst v1  }
0x64: {  	v1 =	vld.idx.msk [tilespmem:v2+s2+$0x0], $0xffff;
	_ =	sdelay $0x2  }
0x65: {  	s10 =	sadd.s32 $0x1, s10  }
0x66: {  	p0 =	sne.s32 s10, s5  }
.Ltmp1:
0x67: {  	[tilespmem:s11+$0x1070] =	vst v1;
	(pc) =	sbr.rel @p0 .LBB2_1-.Ltmp1, $4  }
0x68: {  	[hbm4b:s4+s2] =	stream.linear.scatter [tilespmem:s9], [sflag:$0x1], $0x800, $0x38;
	[tilespmem:$0x1800] =	vst v63  }
0x69: {  	_ =	swait.ge [sflag:s8], $0x800  }
0x6a: {  	[sflag:s8] =	ssyncset.done $0x0  }
0x6b: {  	[sflag:s8] =	ssyncadd.s32 $0xFFFFF800  }
0x6c: {  	_ =	sfence.sel $0x180000  }
0x6d: {  	[bflag:$0x0] =	sbarrier.arrive $0xFFFF  }
0x6e: {  	p0 =	sne.s32 s1, $0x0;
	_ =	strace $0x90000047  }
0x6f: {  	s0 =	sadd.s32 @!p0 $0x100000, s0;
	[bflag:$0x2] =	sbarrier.arrive $0xFFFF  }
0x70: {  	[sflag:s0] =	ssyncadd.tile.s32 @!p0 $0x1;
	_ =	shalt  }
.Lfunc_end2:
_tile_overlayer_lowered:
.L_overlay_start_2:
0x71: {  	(tag) =	ssettag $0x2  }
0x72: {  	s0 =	rddreg [dreg:$0x0];
	s2 =	stileid.u32  }
0x73: {  	s1 =	rddreg [dreg:$0x1];
	p0 =	sne.s32 s2, $0x0  }
0x74: {  	s3 =	rddreg [dreg:$0x2];
	[bflag:$0x3] =	sbarrier.arrive $0xFFFF;
	s2 =	simm.s32 @!p0 $0x1C01  }
0x75: {  	[timem:s3], [sflag:s2] =	dma.local @!p0 [hbm:s0], s1  }
0x76: {  	s0 =	simm.s32 @!p0 $0x1  }
0x77: {  	_ =	swait.ge @!p0 [sflag:s0], s1  }
0x78: {  	s1 =	ssub.s32 @!p0 $0x0, s1;
	[sflag:s0] =	ssyncset.done @!p0 $0x0  }
0x79: {  	[sflag:s0] =	ssyncadd.s32 @!p0 s1  }
0x7a: {  	[bflag:$0x3] =	sbarrier.arrive $0xFFFF  }
0x7b: {  	_ =	shalt  }

</sc_bundles>
